<compile_context>
chip_gen: v7x
topology: tpu7x:2x2x1
jax: 0.10.2.dev20260603
libtpu: 0.0.44.dev20260713+nightly
codegen_flags: <defaults>
</compile_context>

<pallas_src>
import functools

import jax
import jax.numpy as jnp
from jax import lax
from jax.experimental import pallas as pl
from jax.experimental.pallas import tpu as pltpu
from jax.experimental.pallas import tpu_sc as plsc

N_PAD = 102400
B = 1024
C = 6400
K_VOL = 27
PLANES = 32


def _tc_prep_kernel(x_ref, nb_ref, w_ref, yT_ref, nbT_ref):
    yT_ref[...] = lax.dot_general(
        w_ref[...], x_ref[...], (((1,), (1,)), ((), ())),
        preferred_element_type=jnp.float32,
        precision=lax.Precision.HIGHEST,
    )
    nbT_ref[...] = jnp.transpose(nb_ref[...], (1, 0))


def _tc_finish_kernel(x_ref, g_ref, out_ref):
    ones = jnp.ones((K_VOL, 1), jnp.float32)
    s = lax.dot_general(
        g_ref[...], ones, (((0,), (0,)), ((), ())),
        preferred_element_type=jnp.float32,
        precision=lax.Precision.HIGHEST,
    )
    out_ref[...] = x_ref[...] * jax.nn.sigmoid(s)


@functools.lru_cache(maxsize=1)
def _make_sc_gather():
    mesh = plsc.VectorSubcoreMesh(core_axis_name="c", subcore_axis_name="s")

    @functools.partial(
        pl.kernel,
        out_type=jax.ShapeDtypeStruct((K_VOL, N_PAD), jnp.float32),
        mesh=mesh,
        compiler_params=pltpu.CompilerParams(needs_layout_passes=False),
        scratch_types=[
            pltpu.VMEM((N_PAD,), jnp.float32),
            pltpu.VMEM((C,), jnp.int32),
            pltpu.VMEM((C,), jnp.float32),
        ],
    )
    def _sc_gather(yT_hbm, nbT_hbm, g_hbm, table_v, idx_v, out_v):
        wid = lax.axis_index("s") * 2 + lax.axis_index("c")

        @pl.when(wid < K_VOL)
        def _():
            pltpu.sync_copy(yT_hbm.at[wid], table_v)

            def chunk_body(ci, carry):
                base = ci * C
                pltpu.sync_copy(nbT_hbm.at[wid, pl.ds(base, C)], idx_v)

                def body(i, carry2):
                    idx = idx_v[pl.ds(i * 16, 16)]
                    out_v[pl.ds(i * 16, 16)] = plsc.load_gather(table_v, [idx])
                    return carry2

                lax.fori_loop(0, C // 16, body, 0)
                pltpu.sync_copy(out_v, g_hbm.at[wid, pl.ds(base, C)])
                return carry

            lax.fori_loop(0, N_PAD // C, chunk_body, 0)

    return _sc_gather


def kernel(x, neighbor_map, W):
    n = x.shape[0]
    xp = jnp.pad(x, ((0, N_PAD - n), (0, 0)))
    nbp = jnp.pad(neighbor_map, ((0, N_PAD - n), (0, 0)))
    wsq = W[:, :, 0]

    yT, nbT = pl.pallas_call(
        _tc_prep_kernel,
        grid=(N_PAD // B,),
        in_specs=[
            pl.BlockSpec((B, PLANES), lambda j: (j, 0)),
            pl.BlockSpec((B, K_VOL), lambda j: (j, 0)),
            pl.BlockSpec((K_VOL, PLANES), lambda j: (0, 0)),
        ],
        out_specs=[
            pl.BlockSpec((K_VOL, B), lambda j: (0, j)),
            pl.BlockSpec((K_VOL, B), lambda j: (0, j)),
        ],
        out_shape=[
            jax.ShapeDtypeStruct((K_VOL, N_PAD), jnp.float32),
            jax.ShapeDtypeStruct((K_VOL, N_PAD), jnp.int32),
        ],
    )(xp, nbp, wsq)

    g = _make_sc_gather()(yT, nbT)

    out = pl.pallas_call(
        _tc_finish_kernel,
        grid=(N_PAD // B,),
        in_specs=[
            pl.BlockSpec((B, PLANES), lambda j: (j, 0)),
            pl.BlockSpec((K_VOL, B), lambda j: (0, j)),
        ],
        out_specs=pl.BlockSpec((B, PLANES), lambda j: (j, 0)),
        out_shape=jax.ShapeDtypeStruct((N_PAD, PLANES), jnp.float32),
    )(xp, g)

    return out[:n]

# --- scband reference (transcript-rebuilt; emitter-appended) ---
"""Pipeline reference for scband-salayer-31834297598787 (READ-ONLY COPY).

The authoritative reference and input builder live on the scoring server;
editing this copy changes nothing except your own understanding.
"""

import jax, jax.numpy as jnp
import numpy as np

N_VOX = 100000
PLANES = 32
K_VOL = 27  # 3x3x3 submanifold kernel


def setup_inputs(seed: int = 0) -> dict:
    key = jax.random.key(seed)
    k1, k2, k3 = jax.random.split(key, 3)
    x = jax.random.normal(k1, (N_VOX, PLANES), dtype=jnp.float32)
    # spconv rulebook: for each active voxel, index of the active voxel at each
    # of the 27 kernel offsets (synthetic: uniform random valid indices)
    neighbor_map = jax.random.randint(k2, (N_VOX, K_VOL), 0, N_VOX, dtype=jnp.int32)
    # SubMConv3d(planes, 1, 3, bias=False) weight: one [planes -> 1] projection per offset
    W = jax.random.normal(k3, (K_VOL, PLANES, 1), dtype=jnp.float32) * 0.05
    return {"x": x, "neighbor_map": neighbor_map, "W": W}


def reference(x, neighbor_map, W):
    # SubMConv3d: out[n] = sum_k  x[neighbor_map[n, k]] @ W[k]   -> (N, 1)
    N = x.shape[0]
    out = jnp.zeros((N, 1), dtype=x.dtype)
    for k in range(W.shape[0]):
        nb = jnp.take(x, neighbor_map[:, k], axis=0)  # gather (N, C)
        out = out + nb @ W[k]
    # SALayer: sigmoid gate, then elementwise feature reweighting
    att = jax.nn.sigmoid(out)
    return x * att

if __name__ == "__main__":
    import jax
    _d = setup_inputs()
    print(jax.jit(kernel)(*tuple(_d.values())))

</pallas_src>

<mosaic_0001>
#map = affine_map<(d0, d1) -> (0, 0)>
module attributes {stable_mosaic.version = 14 : i64} {
  func.func @_sc_gather(%arg0: i32, %arg1: i32, %arg2: memref<27x102400xf32, #tpu.memory_space<hbm>>, %arg3: memref<27x102400xi32, #tpu.memory_space<hbm>>, %arg4: memref<27x102400xf32, #tpu.memory_space<hbm>>, %arg5: memref<102400xf32, #tpu.memory_space<vmem>>, %arg6: memref<6400xi32, #tpu.memory_space<vmem>>, %arg7: memref<6400xf32, #tpu.memory_space<vmem>>) attributes {dimension_semantics = [#tpu.dimension_semantics<core_parallel>, #tpu.dimension_semantics<subcore_parallel>], iteration_bounds = array<i64: 2, 16>, scalar_prefetch = 0 : i64, scratch_operands = 3 : i64, tpu.core_type = #tpu.core_type<sc_vector_subcore>, window_params = [{transform_indices = #map}, {transform_indices = #map}, {transform_indices = #map}]} {
    %mul3A = arith.constant 2 : i32
    %mul3A_0 = arith.muli %arg1, %mul3A : i32
    %add3A = arith.addi %mul3A_0, %arg0 : i32
    %lt3A = arith.constant 27 : i32
    %lt3A_1 = arith.cmpi slt, %add3A, %lt3A : i32
    %convert_element_type3A = arith.extui %lt3A_1 : i1 to i32
    %cond3A = arith.constant 0 : i32
    %cond3A_2 = arith.cmpi ne, %convert_element_type3A, %cond3A : i32
    scf.if %cond3A_2 {
      "tpu.region"() ({
        %run_scoped3A = tpu.sem_alloc : memref<!tpu.dma_semaphore, #tpu.memory_space<semaphore_mem>>
        %dma_start3A = arith.constant 0 : i32
        %dma_start3A_8 = tpu.memref_slice %arg2[%add3A, %dma_start3A] : memref<27x102400xf32, #tpu.memory_space<hbm>> -> memref<1x102400xf32, #tpu.memory_space<hbm>>
        %dma_start3A_9 = tpu.memref_squeeze %dma_start3A_8 : memref<1x102400xf32, #tpu.memory_space<hbm>> -> memref<102400xf32, #tpu.memory_space<hbm>>
        %dma_start3A_10 = arith.constant 0 : i32
        %dma_start3A_11 = tpu.memref_slice %arg2[%add3A, %dma_start3A_10] : memref<27x102400xf32, #tpu.memory_space<hbm>> -> memref<1x102400xf32, #tpu.memory_space<hbm>>
        %dma_start3A_12 = tpu.memref_squeeze %dma_start3A_11 : memref<1x102400xf32, #tpu.memory_space<hbm>> -> memref<102400xf32, #tpu.memory_space<hbm>>
        tpu.enqueue_dma source(%dma_start3A_12 : memref<102400xf32, #tpu.memory_space<hbm>>) target(%arg5 : memref<102400xf32, #tpu.memory_space<vmem>>) target_semaphore(%run_scoped3A : memref<!tpu.dma_semaphore, #tpu.memory_space<semaphore_mem>>)
        %dma_wait3A = arith.constant 0 : i32
        %dma_wait3A_13 = tpu.memref_slice %arg2[%add3A, %dma_wait3A] : memref<27x102400xf32, #tpu.memory_space<hbm>> -> memref<1x102400xf32, #tpu.memory_space<hbm>>
        %dma_wait3A_14 = tpu.memref_squeeze %dma_wait3A_13 : memref<1x102400xf32, #tpu.memory_space<hbm>> -> memref<102400xf32, #tpu.memory_space<hbm>>
        %dma_wait3A_15 = arith.constant 0 : i32
        %dma_wait3A_16 = tpu.memref_slice %arg2[%add3A, %dma_wait3A_15] : memref<27x102400xf32, #tpu.memory_space<hbm>> -> memref<1x102400xf32, #tpu.memory_space<hbm>>
        %dma_wait3A_17 = tpu.memref_squeeze %dma_wait3A_16 : memref<1x102400xf32, #tpu.memory_space<hbm>> -> memref<102400xf32, #tpu.memory_space<hbm>>
        tpu.wait_dma2 semaphore(%run_scoped3A : memref<!tpu.dma_semaphore, #tpu.memory_space<semaphore_mem>>) src(%dma_wait3A_17 : memref<102400xf32, #tpu.memory_space<hbm>>) dst(%arg5 : memref<102400xf32, #tpu.memory_space<vmem>>)
        tpu.yield
      }) : () -> ()
      %scan3A = arith.constant 0 : i32
      %scan3A_3 = arith.constant 0 : i32
      %scan3A_4 = arith.constant 16 : i32
      %scan3A_5 = arith.addi %scan3A_3, %scan3A_4 : i32
      %scan3A_6 = arith.constant 1 : i32
      scf.for %scan3A_8 = %scan3A_3 to %scan3A_5 step %scan3A_6  : i32 {
        %mul3A_9 = arith.constant 6400 : i32
        %mul3A_10 = arith.muli %scan3A_8, %mul3A_9 : i32
        "tpu.region"() ({
          %run_scoped3A = tpu.sem_alloc : memref<!tpu.dma_semaphore, #tpu.memory_space<semaphore_mem>>
          %dma_start3A = tpu.memref_slice %arg3[%add3A, %mul3A_10] : memref<27x102400xi32, #tpu.memory_space<hbm>> -> memref<1x6400xi32, #tpu.memory_space<hbm>>
          %dma_start3A_17 = tpu.memref_squeeze %dma_start3A : memref<1x6400xi32, #tpu.memory_space<hbm>> -> memref<6400xi32, #tpu.memory_space<hbm>>
          %dma_start3A_18 = tpu.memref_slice %arg3[%add3A, %mul3A_10] : memref<27x102400xi32, #tpu.memory_space<hbm>> -> memref<1x6400xi32, #tpu.memory_space<hbm>>
          %dma_start3A_19 = tpu.memref_squeeze %dma_start3A_18 : memref<1x6400xi32, #tpu.memory_space<hbm>> -> memref<6400xi32, #tpu.memory_space<hbm>>
          tpu.enqueue_dma source(%dma_start3A_19 : memref<6400xi32, #tpu.memory_space<hbm>>) target(%arg6 : memref<6400xi32, #tpu.memory_space<vmem>>) target_semaphore(%run_scoped3A : memref<!tpu.dma_semaphore, #tpu.memory_space<semaphore_mem>>)
          %dma_wait3A = tpu.memref_slice %arg3[%add3A, %mul3A_10] : memref<27x102400xi32, #tpu.memory_space<hbm>> -> memref<1x6400xi32, #tpu.memory_space<hbm>>
          %dma_wait3A_20 = tpu.memref_squeeze %dma_wait3A : memref<1x6400xi32, #tpu.memory_space<hbm>> -> memref<6400xi32, #tpu.memory_space<hbm>>
          %dma_wait3A_21 = tpu.memref_slice %arg3[%add3A, %mul3A_10] : memref<27x102400xi32, #tpu.memory_space<hbm>> -> memref<1x6400xi32, #tpu.memory_space<hbm>>
          %dma_wait3A_22 = tpu.memref_squeeze %dma_wait3A_21 : memref<1x6400xi32, #tpu.memory_space<hbm>> -> memref<6400xi32, #tpu.memory_space<hbm>>
          tpu.wait_dma2 semaphore(%run_scoped3A : memref<!tpu.dma_semaphore, #tpu.memory_space<semaphore_mem>>) src(%dma_wait3A_22 : memref<6400xi32, #tpu.memory_space<hbm>>) dst(%arg6 : memref<6400xi32, #tpu.memory_space<vmem>>)
          tpu.yield
        }) : () -> ()
        %scan3A_11 = arith.constant 0 : i32
        %scan3A_12 = arith.constant 0 : i32
        %scan3A_13 = arith.constant 400 : i32
        %scan3A_14 = arith.addi %scan3A_12, %scan3A_13 : i32
        %scan3A_15 = arith.constant 1 : i32
        scf.for %scan3A_17 = %scan3A_12 to %scan3A_14 step %scan3A_15  : i32 {
          %mul3A_18 = arith.constant 16 : i32
          %mul3A_19 = arith.muli %scan3A_17, %mul3A_18 : i32
          %get3A = arith.index_cast %mul3A_19 : i32 to index
          %get3A_20 = tpu.vector_load %arg6[%get3A] {strides = array<i32>} : memref<6400xi32, #tpu.memory_space<vmem>>, vector<16xi32>,
          %gather3A = tpu.vector_load_idx %arg5[%get3A_20] : memref<102400xf32, #tpu.memory_space<vmem>>[vector<16xi32>], vector<16xf32>,
          %mul3A_21 = arith.constant 16 : i32
          %mul3A_22 = arith.muli %scan3A_17, %mul3A_21 : i32
          %swap3A = arith.index_cast %mul3A_22 : i32 to index
          %swap3A_23 = tpu.vector_load %arg7[%swap3A] {strides = array<i32>} : memref<6400xf32, #tpu.memory_space<vmem>>, vector<16xf32>,
          tpu.vector_store %arg7[%swap3A], %gather3A {strides = array<i32>} : memref<6400xf32, #tpu.memory_space<vmem>>, vector<16xf32>,
        }
        %scan3A_16 = arith.constant 400 : i32
        "tpu.region"() ({
          %run_scoped3A = tpu.sem_alloc : memref<!tpu.dma_semaphore, #tpu.memory_space<semaphore_mem>>
          %dma_start3A = tpu.memref_slice %arg4[%add3A, %mul3A_10] : memref<27x102400xf32, #tpu.memory_space<hbm>> -> memref<1x6400xf32, #tpu.memory_space<hbm>>
          %dma_start3A_17 = tpu.memref_squeeze %dma_start3A : memref<1x6400xf32, #tpu.memory_space<hbm>> -> memref<6400xf32, #tpu.memory_space<hbm>>
          %dma_start3A_18 = tpu.memref_slice %arg4[%add3A, %mul3A_10] : memref<27x102400xf32, #tpu.memory_space<hbm>> -> memref<1x6400xf32, #tpu.memory_space<hbm>>
          %dma_start3A_19 = tpu.memref_squeeze %dma_start3A_18 : memref<1x6400xf32, #tpu.memory_space<hbm>> -> memref<6400xf32, #tpu.memory_space<hbm>>
          tpu.enqueue_dma source(%arg7 : memref<6400xf32, #tpu.memory_space<vmem>>) target(%dma_start3A_19 : memref<6400xf32, #tpu.memory_space<hbm>>) target_semaphore(%run_scoped3A : memref<!tpu.dma_semaphore, #tpu.memory_space<semaphore_mem>>)
          %dma_wait3A = tpu.memref_slice %arg4[%add3A, %mul3A_10] : memref<27x102400xf32, #tpu.memory_space<hbm>> -> memref<1x6400xf32, #tpu.memory_space<hbm>>
          %dma_wait3A_20 = tpu.memref_squeeze %dma_wait3A : memref<1x6400xf32, #tpu.memory_space<hbm>> -> memref<6400xf32, #tpu.memory_space<hbm>>
          %dma_wait3A_21 = tpu.memref_slice %arg4[%add3A, %mul3A_10] : memref<27x102400xf32, #tpu.memory_space<hbm>> -> memref<1x6400xf32, #tpu.memory_space<hbm>>
          %dma_wait3A_22 = tpu.memref_squeeze %dma_wait3A_21 : memref<1x6400xf32, #tpu.memory_space<hbm>> -> memref<6400xf32, #tpu.memory_space<hbm>>
          tpu.wait_dma2 semaphore(%run_scoped3A : memref<!tpu.dma_semaphore, #tpu.memory_space<semaphore_mem>>) src(%arg7 : memref<6400xf32, #tpu.memory_space<vmem>>) dst(%dma_wait3A_22 : memref<6400xf32, #tpu.memory_space<hbm>>)
          tpu.yield
        }) : () -> ()
      }
      %scan3A_7 = arith.constant 16 : i32
    } else {
    }
    return
  }
}

module attributes {stable_mosaic.version = 14 : i64} {
  func.func @_tc_prep_kernel(%arg0: i32, %arg1: memref<1024x32xf32, #tpu.memory_space<vmem>>, %arg2: memref<1024x27xi32, #tpu.memory_space<vmem>>, %arg3: memref<27x32xf32, #tpu.memory_space<vmem>>, %arg4: memref<27x1024xf32, #tpu.memory_space<vmem>>, %arg5: memref<27x1024xi32, #tpu.memory_space<vmem>>) attributes {dimension_semantics = [#tpu.dimension_semantics<arbitrary>], iteration_bounds = array<i64: 100>, scalar_prefetch = 0 : i64, scratch_operands = 0 : i64, tpu.core_type = #tpu.core_type<tc>, window_params = [{transform_indices = @transform_0, window_bounds = array<i64: 1024, 32>}, {transform_indices = @transform_1, window_bounds = array<i64: 1024, 27>}, {pipeline_mode = #tpu.pipeline_mode<synchronous>, transform_indices = @transform_2, window_bounds = array<i64: 27, 32>}, {transform_indices = @transform_3, window_bounds = array<i64: 27, 1024>}, {transform_indices = @transform_4, window_bounds = array<i64: 27, 1024>}]} {
    %get3A = arith.constant 0 : index
    %get3A_0 = arith.constant 0 : index
    %get3A_1 = vector.load %arg3[%get3A, %get3A_0] : memref<27x32xf32, #tpu.memory_space<vmem>>, vector<27x32xf32>
    %get3A_2 = arith.constant 0 : index
    %get3A_3 = arith.constant 0 : index
    %get3A_4 = vector.load %arg1[%get3A_2, %get3A_3] : memref<1024x32xf32, #tpu.memory_space<vmem>>, vector<1024x32xf32>
    %dot_general3A = arith.constant dense<0.000000e+00> : vector<27x1024xf32>
    %dot_general3A_5 = tpu.matmul %get3A_1, %get3A_4, %dot_general3A {dimension_numbers = #tpu.dot_dimension_numbers<[1], [1], [0], [0], [0, 0, 1, 0], [], []>, precision = #tpu.contract_precision<fp32>, transpose_lhs_hint = false} : vector<27x32xf32>, vector<1024x32xf32>, vector<27x1024xf32> -> vector<27x1024xf32>
    %swap3A = arith.constant 0 : index
    %swap3A_6 = arith.constant 0 : index
    %swap3A_7 = vector.load %arg4[%swap3A, %swap3A_6] : memref<27x1024xf32, #tpu.memory_space<vmem>>, vector<27x1024xf32>
    tpu.vector_store %arg4[%swap3A, %swap3A_6], %dot_general3A_5 {strides = array<i32>} : memref<27x1024xf32, #tpu.memory_space<vmem>>, vector<27x1024xf32>,
    %get3A_8 = arith.constant 0 : index
    %get3A_9 = arith.constant 0 : index
    %get3A_10 = vector.load %arg2[%get3A_8, %get3A_9] : memref<1024x27xi32, #tpu.memory_space<vmem>>, vector<1024x27xi32>
    %transpose3A = tpu.transpose %get3A_10, [1, 0] : vector<1024x27xi32> -> vector<27x1024xi32>
    %swap3A_11 = arith.constant 0 : index
    %swap3A_12 = arith.constant 0 : index
    %swap3A_13 = vector.load %arg5[%swap3A_11, %swap3A_12] : memref<27x1024xi32, #tpu.memory_space<vmem>>, vector<27x1024xi32>
    tpu.vector_store %arg5[%swap3A_11, %swap3A_12], %transpose3A {strides = array<i32>} : memref<27x1024xi32, #tpu.memory_space<vmem>>, vector<27x1024xi32>,
    return
  }
  func.func @transform_0(%arg0: i32) -> (i32, i32) {
    %c0_i32 = arith.constant 0 : i32
    %c0_i32_0 = arith.constant 0 : i32
    return %arg0, %c0_i32 : i32, i32
  }
  func.func @transform_1(%arg0: i32) -> (i32, i32) {
    %c0_i32 = arith.constant 0 : i32
    %c0_i32_0 = arith.constant 0 : i32
    return %arg0, %c0_i32 : i32, i32
  }
  func.func @transform_2(%arg0: i32) -> (i32, i32) {
    %c0_i32 = arith.constant 0 : i32
    %c0_i32_0 = arith.constant 0 : i32
    %c0_i32_1 = arith.constant 0 : i32
    return %c0_i32, %c0_i32_0 : i32, i32
  }
  func.func @transform_3(%arg0: i32) -> (i32, i32) {
    %c0_i32 = arith.constant 0 : i32
    %c0_i32_0 = arith.constant 0 : i32
    return %c0_i32, %arg0 : i32, i32
  }
  func.func @transform_4(%arg0: i32) -> (i32, i32) {
    %c0_i32 = arith.constant 0 : i32
    %c0_i32_0 = arith.constant 0 : i32
    return %c0_i32, %arg0 : i32, i32
  }
}

module attributes {stable_mosaic.version = 14 : i64} {
  func.func @_tc_finish_kernel(%arg0: i32, %arg1: memref<1024x32xf32, #tpu.memory_space<vmem>>, %arg2: memref<27x1024xf32, #tpu.memory_space<vmem>>, %arg3: memref<1024x32xf32, #tpu.memory_space<vmem>>) attributes {dimension_semantics = [#tpu.dimension_semantics<arbitrary>], iteration_bounds = array<i64: 100>, scalar_prefetch = 0 : i64, scratch_operands = 0 : i64, tpu.core_type = #tpu.core_type<tc>, window_params = [{transform_indices = @transform_0, window_bounds = array<i64: 1024, 32>}, {transform_indices = @transform_1, window_bounds = array<i64: 27, 1024>}, {transform_indices = @transform_2, window_bounds = array<i64: 1024, 32>}]} {
    %broadcast_in_dim3A = arith.constant 1.000000e+00 : f32
    %broadcast_in_dim3A_0 = vector.broadcast %broadcast_in_dim3A : f32 to vector<27x1xf32>
    %get3A = arith.constant 0 : index
    %get3A_1 = arith.constant 0 : index
    %get3A_2 = vector.load %arg2[%get3A, %get3A_1] : memref<27x1024xf32, #tpu.memory_space<vmem>>, vector<27x1024xf32>
    %dot_general3A = arith.constant dense<0.000000e+00> : vector<1024x1xf32>
    %dot_general3A_3 = tpu.matmul %get3A_2, %broadcast_in_dim3A_0, %dot_general3A {dimension_numbers = #tpu.dot_dimension_numbers<[0], [0], [1], [1], [0, 1, 1, 1], [], []>, precision = #tpu.contract_precision<fp32>, transpose_lhs_hint = false} : vector<27x1024xf32>, vector<27x1xf32>, vector<1024x1xf32> -> vector<1024x1xf32>
    %get3A_4 = arith.constant 0 : index
    %get3A_5 = arith.constant 0 : index
    %get3A_6 = vector.load %arg1[%get3A_4, %get3A_5] : memref<1024x32xf32, #tpu.memory_space<vmem>>, vector<1024x32xf32>
    %logistic3A = arith.negf %dot_general3A_3 : vector<1024x1xf32>
    %logistic3A_7 = math.exp %logistic3A : vector<1024x1xf32>
    %logistic3A_8 = arith.constant 1.000000e+00 : f32
    %logistic3A_9 = vector.broadcast %logistic3A_8 : f32 to vector<1024x1xf32>
    %logistic3A_10 = arith.addf %logistic3A_9, %logistic3A_7 : vector<1024x1xf32>
    %logistic3A_11 = arith.divf %logistic3A_9, %logistic3A_10 : vector<1024x1xf32>
    %mul3A = vector.broadcast %logistic3A_11 : vector<1024x1xf32> to vector<1024x32xf32>
    %mul3A_12 = arith.mulf %get3A_6, %mul3A : vector<1024x32xf32>
    %swap3A = arith.constant 0 : index
    %swap3A_13 = arith.constant 0 : index
    %swap3A_14 = vector.load %arg3[%swap3A, %swap3A_13] : memref<1024x32xf32, #tpu.memory_space<vmem>>, vector<1024x32xf32>
    tpu.vector_store %arg3[%swap3A, %swap3A_13], %mul3A_12 {strides = array<i32>} : memref<1024x32xf32, #tpu.memory_space<vmem>>, vector<1024x32xf32>,
    return
  }
  func.func @transform_0(%arg0: i32) -> (i32, i32) {
    %c0_i32 = arith.constant 0 : i32
    %c0_i32_0 = arith.constant 0 : i32
    return %arg0, %c0_i32 : i32, i32
  }
  func.func @transform_1(%arg0: i32) -> (i32, i32) {
    %c0_i32 = arith.constant 0 : i32
    %c0_i32_0 = arith.constant 0 : i32
    return %c0_i32, %arg0 : i32, i32
  }
  func.func @transform_2(%arg0: i32) -> (i32, i32) {
    %c0_i32 = arith.constant 0 : i32
    %c0_i32_0 = arith.constant 0 : i32
    return %arg0, %c0_i32 : i32, i32
  }
}

</mosaic_0001>

<sc_bundles>
// kernel: kernel.5.cloned.1.call-start
scs
__scs_entry_jumppad:
0x0: {  	(pc) =	sbr.rel $0x88, $3  }
0x1: {  	(tag) =	ssettag $0x0;
	lr =	simm.s32 $0x1  }
0x2: {  	[smem:$0x3F9E] =	sst lr;
	_ =	strace $0xD0000000  }
0x3: {  	_ = 	snop  }
0x4: {  	_ = 	snop  }
0x5: {  	_ = 	snop  }
0x6: {  	_ = 	snop  }
0x7: {  	_ = 	snop  }
__scs_overlays_trampoline_lowered:
0x8: {  	[smem:$0x3FAD] =	sst s0  }
0x9: {  	[smem:$0x3FAE] =	sst s1  }
0xa: {  	[smem:$0x3FAF] =	sst s2  }
0xb: {  	[smem:$0x3FB0] =	sst s3  }
0xc: {  	[smem:$0x3FB1] =	sst s4  }
0xd: {  	[smem:$0x3FB2] =	sst s5  }
0xe: {  	[smem:$0x3FB3] =	sst s6  }
0xf: {  	[smem:$0x3FB4] =	sst s7  }
0x10: {  	[smem:$0x3FB5] =	sst s8  }
0x11: {  	[smem:$0x3FB6] =	sst s9;
	s0 =	simm.s32 @!p0 $0x0  }
0x12: {  	s1 =	sld [smem:$0x3F9C];
	s0 =	simm.s32 @p0 $0x1  }
0x13: {  	[smem:$0x3FB7] =	sst s0;
	s0 =	simm.s32 @!p1 $0x0  }
0x14: {  	s2 =	sld [smem:$0x3F9B];
	s0 =	simm.s32 @p1 $0x1  }
0x15: {  	[smem:$0x3FB8] =	sst s0;
	s0 =	simm.s32 @!p2 $0x0  }
0x16: {  	s3 =	sld [smem:$0x3FDB];
	s0 =	simm.s32 @p2 $0x1  }
0x17: {  	s4 =	simm.s32 $0x1BF5;
	[smem:$0x3FBA] =	sst s0  }
0x18: {  	s0 =	sld [smem:$0x3F9D];
	_ =	swait.ge [sflag:s4], $0x0  }
0x19: {  	s7 =	sld [smem:$0x3F9E]  }
0x1a: {  	s8 =	sadd.s32 $0xFFFFE003, lr  }
0x1b: {  	s9 =	sadd.s32 $0xFFFFFEF7, lr;
	s5 =	simm.s32 $0xFFFFFFFF;
	p2 =	slt.u32 s8, $0xFFFFF086  }
0x1c: {  	p1 =	slt.u32 s9, $0xF7A;
	s5 =	simm.s32 @!p2 $0x0  }
0x1d: {  	s5 =	simm.s32 @p1 $0x1;
	p0 =	seq.s32 s7, s2  }
0x1e: {  	s7 =	smul.u32 @!p0 $0xF7A, s2;
	p2 =	seq.s32 @!p0 s5, $0x0  }
0x1f: {  	s9 =	smul.u32 $0xF7A, s1;
	s8 =	simm.s32 @!p0 $0x1BF5;
	p2 =	por !p2, p0  }
0x20: {  	[sflag:s8] =	ssyncset.s32 @!p0 $0xFFFFF086;
	s6 =	sadd.s32 @!p0 s3, s7;
	s7 =	simm.s32 @!p0 $0x108  }
0x21: {  	s3 =	sadd.s32 s3, s9;
	s6 =	sadd.s32 @!p0 $0x88, s6;
	s7 =	simm.s32 @p2 $0x1082  }
0x22: {  	[simem:s7], [sflag:s8] =	dma.local @!p0 [hbm:s6], $0xF7A  }
0x23: {  	s9 =	sor.u32 $0xD0000000, s2;
	s6 =	simm.s32 $0x108;
	_ =	swait.ge @!p0 [sflag:s8], $0x0  }
0x24: {  	s3 =	sadd.s32 $0x88, s3;
	s6 =	simm.s32 @!p1 $0x1082;
	[sflag:s4] =	ssyncset.s32 $0xFFFFF086  }
0x25: {  	[simem:s6], [sflag:s4] =	dma.local [hbm:s3], $0xF7A  }
0x26: {  	[smem:$0x3F9E] =	sst s1;
	(tag) =	ssettag s2;
	_ =	strace s9  }
0x27: {  	s1 =	sld [smem:$0x3FAE]  }
0x28: {  	s2 =	sld [smem:$0x3FAF]  }
0x29: {  	s4 =	sld [smem:$0x3FB1]  }
0x2a: {  	p0 =	seq.s32 s5, $0x0;
	s5 =	sld [smem:$0x3FB2]  }
0x2b: {  	s6 =	sld [smem:$0x3FB3]  }
0x2c: {  	s7 =	sld [smem:$0x3FB4]  }
0x2d: {  	s3 =	simm.s32 $0x108;
	s8 =	sld [smem:$0x3FB5]  }
0x2e: {  	s3 =	simm.s32 @!p0 $0x1082;
	s9 =	sld [smem:$0x3FB6]  }
0x2f: {  	lr =	sadd.s32 s0, s3;
	s0 =	sld [smem:$0x3FAD]  }
0x30: {  	s3 =	sld [smem:$0x3FB0]  }
0x31: {  	[smem:$0x3FB9] =	sst s10  }
0x32: {  	s10 =	sld [smem:$0x3FB7];
	_ =	sdelay $0x3  }
0x33: {  	p0 =	seq.s32 s10, $0x1;
	s10 =	sld [smem:$0x3FB9];
	_ =	sdelay $0x3  }
0x34: {  	[smem:$0x3FB9] =	sst s10  }
0x35: {  	s10 =	sld [smem:$0x3FB8];
	_ =	sdelay $0x3  }
0x36: {  	p1 =	seq.s32 s10, $0x1;
	s10 =	sld [smem:$0x3FB9];
	_ =	sdelay $0x3  }
0x37: {  	[smem:$0x3FB9] =	sst s10  }
0x38: {  	s10 =	sld [smem:$0x3FBA]  }
0x39: {  	_ = 	snop;
	(pc) =	sbr.ind lr, $3  }
0x3a: {  	_ = 	snop  }
0x3b: {  	_ = 	snop  }
0x3c: {  	p2 =	seq.s32 s10, $0x1;
	s10 =	sld [smem:$0x3FB9]  }
0x3d: {  	_ =	shalt  }
0x3e: {  	_ =	shalt  }
0x3f: {  	_ =	shalt  }
0x40: {  	_ =	shalt  }
0x41: {  	_ =	shalt  }
0x42: {  	_ =	shalt  }
0x43: {  	_ =	shalt  }
0x44: {  	_ =	shalt  }
0x45: {  	_ =	shalt  }
0x46: {  	_ =	shalt  }
0x47: {  	_ =	shalt  }
0x48: {  	_ =	shalt  }
0x49: {  	_ =	shalt  }
0x4a: {  	_ =	shalt  }
0x4b: {  	_ =	shalt  }
0x4c: {  	_ =	shalt  }
0x4d: {  	_ =	shalt  }
0x4e: {  	_ =	shalt  }
0x4f: {  	_ =	shalt  }
0x50: {  	_ =	shalt  }
0x51: {  	_ =	shalt  }
0x52: {  	_ =	shalt  }
0x53: {  	_ =	shalt  }
0x54: {  	_ =	shalt  }
0x55: {  	_ =	shalt  }
0x56: {  	_ =	shalt  }
0x57: {  	_ =	shalt  }
0x58: {  	_ =	shalt  }
0x59: {  	_ =	shalt  }
0x5a: {  	_ =	shalt  }
0x5b: {  	_ =	shalt  }
0x5c: {  	_ =	shalt  }
0x5d: {  	_ =	shalt  }
0x5e: {  	_ =	shalt  }
0x5f: {  	_ =	shalt  }
0x60: {  	_ =	shalt  }
0x61: {  	_ =	shalt  }
0x62: {  	_ =	shalt  }
0x63: {  	_ =	shalt  }
0x64: {  	_ =	shalt  }
0x65: {  	_ =	shalt  }
0x66: {  	_ =	shalt  }
0x67: {  	_ =	shalt  }
0x68: {  	_ =	shalt  }
0x69: {  	_ =	shalt  }
0x6a: {  	_ =	shalt  }
0x6b: {  	_ =	shalt  }
0x6c: {  	_ =	shalt  }
0x6d: {  	_ =	shalt  }
0x6e: {  	_ =	shalt  }
0x6f: {  	_ =	shalt  }
0x70: {  	_ =	shalt  }
0x71: {  	_ =	shalt  }
0x72: {  	_ =	shalt  }
0x73: {  	_ =	shalt  }
0x74: {  	_ =	shalt  }
0x75: {  	_ =	shalt  }
0x76: {  	_ =	shalt  }
0x77: {  	_ =	shalt  }
0x78: {  	_ =	shalt  }
0x79: {  	_ =	shalt  }
0x7a: {  	_ =	shalt  }
0x7b: {  	_ =	shalt  }
0x7c: {  	_ =	shalt  }
0x7d: {  	_ =	shalt  }
0x7e: {  	_ =	shalt  }
0x7f: {  	_ =	shalt  }
0x80: {  	_ =	shalt  }
0x81: {  	_ =	shalt  }
0x82: {  	_ =	shalt  }
0x83: {  	_ =	shalt  }
0x84: {  	_ =	shalt  }
0x85: {  	_ =	shalt  }
0x86: {  	_ =	shalt  }
0x87: {  	_ =	shalt  }
.Lfunc_end0:
.L_simem_size_0:
called_computation_lowered:
.L_overlay_start_0:
0x88: {  	s2 =	sld [smem:$0x3FD9]  }
0x89: {  	s3 =	sld [smem:$0x3FFE];
	_ =	sdelay $0x1  }
0x8a: {  	s1 =	srdreg.scid  }
0x8b: {  	s0 =	sand.u32 $0x1, s1  }
0x8c: {  	s16 =	sshll.u32 s0, $0xA;
	s2 =	sadd.s32 s3, s2  }
0x8d: {  	s2 =	sadd.s32 s2, s16  }
0x8e: {  	[smem:$0x3FC5] =	sst s2  }
0x8f: {  	_ = 	snop  }
0x90: {  	(tm) =	ssettm $0x1  }
0x91: {  	s17 =	sld [smem:$0x3FFB];
	_ =	sdelay $0x3  }
0x92: {  	_ =	strace s17  }
0x93: {  	s2 =	sld [smem:$0x3FFC];
	_ =	sdelay $0x3  }
0x94: {  	_ =	strace s2  }
0x95: {  	s2 =	sld [smem:$0x3FFD];
	_ =	sdelay $0x3  }
0x96: {  	_ =	strace s2  }
0x97: {  	_ =	strace $0x8FFFFFFF  }
0x98: {  	s18 =	sld [smem:$0x3FDB];
	_ =	sdelay $0x1  }
0x99: {  	s19 =	simm.s32 $_scs_section_size  }
0x9a: {  	s4 =	simm.s32 $_size__tile_overlayer_lowered;
	s5 =	simm.s32 $_tile_overlayer_lowered  }
0x9b: {  	s22 =	simm.s32 $0x1BFF;
	s21 =	sshll.u32 s5, $0x1;
	s2 =	sadd.s32 s19, s18  }
0x9c: {  	s6 =	simm.s32 $0x0;
	s20 =	sshll.u32 s4, $0x1;
	s4 =	sadd.s32 s21, s2  }
0x9d: {  	[timem:s6], [sflag:s22] =	dma.local [hbm:s4], s20  }
0x9e: {  	_ =	swait.ge [sflag:s22], s20  }
0x9f: {  	s3 =	ssub.s32 $0x0, s20;
	[sflag:s22] =	ssyncset.done $0x0  }
0xa0: {  	[sflag:s22] =	ssyncadd.s32 s3;
	_ =	sdelay $0x1  }
0xa1: {  	s23 =	simm.s32 $0x1B8B  }
0xa2: {  	_ =	swait.ge [sflag:s23], $0x1  }
0xa3: {  	[sflag:s23] =	ssyncset.done $0x0  }
0xa4: {  	s25 =	simm.s32 $0x1B8E;
	s24 =	sld [smem:$0x3FFE];
	[sflag:s23] =	ssyncadd.s32 $0xFFFFFFFF  }
0xa5: {  	s26 =	simm.s32 $execute0_lowered;
	[smem:$0x3FD2] =	sst s25  }
0xa6: {  	s4 =	sshll.u32 s26, $0x1;
	_ =	strace $0x80000046;
	[dreg:$0x1] =	wrdreg $0xFFFFFFFF  }
0xa7: {  	s28 =	simm.s32 $_size_execute0_lowered;
	s2 =	sadd.s32 s2, s4;
	[dreg:$0x0] =	wrdreg $0x0  }
0xa8: {  	s4 =	sshll.u32 s28, $0x1;
	[dreg:$0x2] =	wrdreg s2  }
0xa9: {  	[dreg:$0x3] =	wrdreg s4  }
0xaa: {  	[dreg:$0x4] =	wrdreg $0xC0  }
0xab: {  	_ =	task [dreg:s6], $0x5FFFF  }
0xac: {  	[dreg:$0x1] =	wrdreg $0xFFFFFFFF  }
0xad: {  	[dreg:$0x0] =	wrdreg $0x60  }
0xae: {  	[dreg:$0x2] =	wrdreg s24  }
0xaf: {  	[dreg:$0x3] =	wrdreg $0x9  }
0xb0: {  	_ =	task.clear_ibuf [dreg:s6], $0x4FFFF;
	_ =	strace $0x90000046  }
0xb1: {  	s29 =	simm.s32 $0x9;
	_ =	strace $0x80000048  }
0xb2: {  	_ =	swait.ge [sflag:s29], $0x1  }
0xb3: {  	[sflag:s29] =	ssyncadd.s32 $0xFFFFFFFF  }
0xb4: {  	_ =	strace $0x90000048  }
0xb5: {  	_ =	sfence  }
0xb6: {  	s30 =	sld [smem:$0x0];
	_ =	sdelay $0x2  }
0xb7: {  	s31 =	sshll.u32 s1, $0xD;
	s1 =	sshrl.u32 s1, $0x2  }
0xb8: {  	s3 =	sand.u32 $0x4000, s31;
	s1 =	sadd.s32 s1, s30  }
0xb9: {  	s0 =	sor.u32 s3, s0;
	s1 =	sshll.u32 s1, $0x11  }
0xba: {  	s0 =	sor.u32 s1, s0  }
0xbb: {  	s0 =	sadd.s32 $0x8F2B, s0  }
0xbc: {  	[sflag:s0] =	ssyncadd.remote.s32 $0x1  }
0xbd: {  	_ =	sfence.sel $0xFFFF  }
0xbe: {  	[dreg:$0x0] =	wrdreg $0xFFFFFFFF;
	(pc) =	sbr.abs _section_cstart, $3  }
0xbf: {  	[dreg:$0x1] =	wrdreg $0xFFFFFFFF  }
0xc0: {  	_ =	task.clear_ibuf [dreg:s6], $0x2FFFF;
	_ =	strace $0x9FFFFFFF  }
0xc1: {  	(tm) =	ssettm $0x7FFFFFFF  }
tec
execute0_lowered:
.L_overlay_start_1:
0x0: {  	(tag) =	ssettag $0x1  }
0x1: {  	s1 =	srdreg.scid;
	s0 =	stileid.u32  }
0x2: {  	s3 =	sand.u32 $0x1, s1;
	s4 =	sshll.u32 s0, $0x1  }
0x3: {  	s4 =	sor.u32 s3, s4  }
0x4: {  	p0 =	sgt.u32 s4, $0x1A  }
.Ltmp0:
0x5: {  	_ = 	snop;
	(pc) =	sbr.rel @p0 .LBB2_7-.Ltmp0, $4  }
0x6: {  	_ = 	snop  }
0x7: {  	s5 =	rddreg [dreg:$0x0];
	s2 =	simm.s32 $0x0  }
0x8: {  	[smem:$0x7FF] =	sst s2  }
0x9: {  	s1 =	rddreg [dreg:$0x1];
	_ =	strace $0x80000047  }
0xa: {  	s6 =	sshrl.u32 s0, $0x2;
	s4 =	sshll.u32 s4, $0x7  }
0xb: {  	s7 =	ssub.s32 $0x2, s3;
	s8 =	sadd.s32 $0x65C00, s5;
	s9 =	simm.s32 $0x400  }
0xc: {  	s10 =	simm.s32 $0x1;
	s11 =	simm.s32 $0x19000;
	s6 =	smul.u32 $0xC8000, s6  }
0xd: {  	s12 =	simm.s32 $0x1A900;
	s4 =	sand.u32 $0x380, s4;
	s30 =	sshrl.u32 s7, $0x1  }
0xe: {  	s13 =	simm.s32 $0x0;
	s7 =	ssub.s32 s7, s30;
	s3 =	sor.u32 s4, s6  }
0xf: {  	s4 =	sadd.s32 $0x1C00, s5;
	s5 =	sadd.s32 $0xC9C00, s5;
	s31 =	sshrl.u32 s3, $0x3  }
0x10: {  	s7 =	smax.u32 s7, $0x1;
	s6 =	sadd.s32 s8, s31;
	s8 =	simm.s32 $0x80  }
.LBB2_2:
0x11: {  	s14 =	simm.s32 $0x0  }
0x12: {  	[tilespmem:s14], [sflag:$0x1] =	stream.strided.gather [hbm4b:s6+s8], $0x19000, s9, s8, $0x38;
	[tilespmem:$0x1C200] =	vst v63  }
0x13: {  	_ =	swait.ge [sflag:s10], $0x19000  }
0x14: {  	[sflag:s10] =	ssyncset.done $0x0  }
0x15: {  	[sflag:s10] =	ssyncadd.s32 $0xFFFE7000  }
.LBB2_3:
0x16: {  	s15 =	smul.u32 $0xC800, s14;
	_ =	sdelay $0x1  }
0x17: {  	s15 =	sadd.s32 s3, s15  }
0x18: {  	s15 =	sshrl.u32 s15, $0x3  }
0x19: {  	s16 =	sadd.s32 s4, s15  }
0x1a: {  	[tilespmem:s11], [sflag:$0x1] =	stream.strided.gather [hbm4b:s16+s8], $0x1900, s9, s8, $0x38;
	[tilespmem:$0x1C200] =	vst v63  }
0x1b: {  	_ =	swait.ge [sflag:s10], $0x1900  }
0x1c: {  	[sflag:s10] =	ssyncset.done $0x0  }
0x1d: {  	s16 =	simm.s32 $0x0;
	[sflag:s10] =	ssyncadd.s32 $0xFFFFE700  }
0x1e: {  	v0 =	vld [tilespmem:s16+$0x19000];
	_ =	sdelay $0x7  }
0x1f: {  	s17 =	simm.s32 $0x10;
	s18 =	simm.s32 $0x80;
	v0 =	vld.idx.msk [tilespmem:v0+s2+$0x0], $0xffff  }
.LBB2_4:
0x20: {  	p0 =	sne.s32 s18, $0x63C0;
	v1 =	vld [tilespmem:s17+$0x19000];
	_ =	sdelay $0x3  }
.Ltmp1:
0x21: {  	(pc) =	sbr.rel @p0 .LBB2_4-.Ltmp1, $2  }
0x22: {  	[tilespmem:s16+$0x1A900] =	vst v0;
	s16 =	smov.u32 s17;
	_ =	sdelay $0x2  }
0x23: {  	s17 =	sshra.s32 s18, $0x2;
	s18 =	sadd.s32 $0x40, s18;
	v0 =	vld.idx.msk [tilespmem:v1+s2+$0x0], $0xffff  }
0x24: {  	v1 =	vld [tilespmem:s17+$0x19000];
	_ =	sdelay $0x6  }
0x25: {  	[tilespmem:s16+$0x1A900] =	vst v0  }
0x26: {  	v0 =	vld.idx.msk [tilespmem:v1+s2+$0x0], $0xffff;
	_ =	sdelay $0x2  }
0x27: {  	s14 =	sadd.s32 $0x1, s14  }
0x28: {  	p0 =	sne.s32 s14, $0x10  }
.Ltmp2:
0x29: {  	s15 =	sadd.s32 s5, s15;
	[tilespmem:s17+$0x1A900] =	vst v0;
	(pc) =	sbr.rel @p0 .LBB2_3-.Ltmp2, $4  }
0x2a: {  	[hbm4b:s15+s8] =	stream.strided.scatter [tilespmem:s12], [sflag:$0x1], $0x1900, s9, s8, $0x38;
	[tilespmem:$0x1C200] =	vst v63  }
0x2b: {  	_ =	swait.ge [sflag:s10], $0x1900  }
0x2c: {  	[sflag:s10] =	ssyncset.done $0x0  }
0x2d: {  	[sflag:s10] =	ssyncadd.s32 $0xFFFFE700  }
0x2e: {  	s13 =	sadd.s32 $0x1, s13  }
0x2f: {  	p0 =	sne.s32 s13, s7  }
.Ltmp3:
0x30: {  	_ = 	snop;
	(pc) =	sbr.rel @p0 .LBB2_2-.Ltmp3, $1  }
0x31: {  	_ =	sdelay $0x3  }
.LBB2_7:
0x32: {  	_ =	sfence.sel $0x180000  }
0x33: {  	[bflag:$0x0] =	sbarrier.arrive $0xFFFF  }
0x34: {  	p0 =	sne.s32 s0, $0x0;
	_ =	strace $0x90000047  }
0x35: {  	s0 =	sadd.s32 @!p0 $0x100000, s1;
	[bflag:$0x2] =	sbarrier.arrive $0xFFFF  }
0x36: {  	[sflag:s0] =	ssyncadd.tile.s32 @!p0 $0x1;
	_ =	shalt  }
.Lfunc_end2:
_tile_overlayer_lowered:
.L_overlay_start_2:
0x37: {  	(tag) =	ssettag $0x2  }
0x38: {  	s0 =	rddreg [dreg:$0x0];
	s2 =	stileid.u32  }
0x39: {  	s1 =	rddreg [dreg:$0x1];
	p0 =	sne.s32 s2, $0x0  }
0x3a: {  	s3 =	rddreg [dreg:$0x2];
	[bflag:$0x3] =	sbarrier.arrive $0xFFFF;
	s2 =	simm.s32 @!p0 $0x1C01  }
0x3b: {  	[timem:s3], [sflag:s2] =	dma.local @!p0 [hbm:s0], s1  }
0x3c: {  	s0 =	simm.s32 @!p0 $0x1  }
0x3d: {  	_ =	swait.ge @!p0 [sflag:s0], s1  }
0x3e: {  	s1 =	ssub.s32 @!p0 $0x0, s1;
	[sflag:s0] =	ssyncset.done @!p0 $0x0  }
0x3f: {  	[sflag:s0] =	ssyncadd.s32 @!p0 s1  }
0x40: {  	[bflag:$0x3] =	sbarrier.arrive $0xFFFF  }
0x41: {  	_ =	shalt  }

</sc_bundles>
